<compile_context>
chip_gen: v7x
topology: tpu7x:2x2x1
jax: 0.10.2.dev20260603
libtpu: 0.0.44.dev20260713+nightly
codegen_flags: <defaults>
</compile_context>

<pallas_src>
import functools

import jax
import jax.numpy as jnp
from jax import lax
from jax.experimental import pallas as pl
from jax.experimental.pallas import tpu as pltpu
from jax.experimental.pallas import tpu_sc as plsc

TOPIC_K = 128
DOC_NUM = 100000
B = 1024
N1 = 32
N2 = 16
V = 8192

NW = 32
BPW = B // NW
X_AT = 0
TWO_AT = BPW
ONE_AT = TWO_AT + N2
ROWS = 64
F1_BASE = B
M2_BASE = B + N1


def _sc_gather(comb, table):
    info = plsc.get_sparse_core_info()
    nc = info.num_cores
    mesh = plsc.VectorSubcoreMesh(core_axis_name="c", subcore_axis_name="s")

    @functools.partial(
        pl.kernel,
        mesh=mesh,
        out_type=jax.ShapeDtypeStruct((B + 2 * N1, TOPIC_K), jnp.float32),
        scratch_types=[
            pltpu.VMEM((ROWS,), jnp.int32),
            pltpu.VMEM((ROWS, TOPIC_K), jnp.float32),
            pltpu.VMEM((1, TOPIC_K), jnp.float32),
            pltpu.SemaphoreType.DMA,
            pltpu.SemaphoreType.DMA,
        ],
    )
    def k(comb_hbm, table_hbm, g_out, idx_v, rows_v, mean_v, sem, sem2):
        wid = lax.axis_index("s") * nc + lax.axis_index("c")
        pltpu.sync_copy(comb_hbm.at[wid], idx_v)
        pltpu.async_copy(table_hbm.at[idx_v], rows_v, sem).wait()
        xcp = pltpu.async_copy(rows_v.at[pl.ds(X_AT, BPW)],
                               g_out.at[pl.ds(wid * BPW, BPW)], sem2)
        fcp = pltpu.async_copy(rows_v.at[pl.ds(ONE_AT, 1)],
                               g_out.at[pl.ds(F1_BASE + wid, 1)], sem2)
        inv = jnp.float32(1.0 / N2)

        def mean_step(j, accs):
            return tuple(a + rows_v[TWO_AT + j, pl.ds(c * 16, 16)]
                         for c, a in enumerate(accs))

        accs = tuple(rows_v[TWO_AT, pl.ds(c * 16, 16)]
                     for c in range(TOPIC_K // 16))
        accs = lax.fori_loop(1, N2, mean_step, accs)
        for c in range(TOPIC_K // 16):
            mean_v[0, pl.ds(c * 16, 16)] = accs[c] * inv
        pltpu.sync_copy(mean_v, g_out.at[pl.ds(M2_BASE + wid, 1)])
        xcp.wait()
        fcp.wait()

    return k(comb, table)


VCHUNK = 4096
NCHUNK = V // VCHUNK


def _tc_body(g_ref, wm_ref, c2w_ref, c2b_ref, s2w_ref,
             c1w_ref, c1b_ref, s1w_ref, adw_ref, aww_ref, out_ref,
             h_s, d_s, logits_s):
    dot_t = lambda a, b: lax.dot_general(a, b, (((1,), (1,)), ((), ())))
    dot = lambda a, b: lax.dot_general(a, b, (((1,), (0,)), ((), ())))

    def norm_rows(t):
        n = jnp.sqrt(jnp.sum(t * t, axis=-1, keepdims=True))
        return t / jnp.maximum(n, 1e-12)

    i = pl.program_id(0)

    @pl.when(i == 0)
    def _prologue():
        f1 = g_ref[pl.ds(F1_BASE, N1), :]
        m2 = g_ref[pl.ds(M2_BASE, N1), :]
        o = (dot_t(m2, c2w_ref[...]) + c2b_ref[...]
             + dot_t(f1, s2w_ref[...]))
        o = norm_rows(jnp.maximum(o, 0.0))
        nm1 = jnp.mean(o, axis=0, keepdims=True)
        t1 = dot_t(nm1, c1w_ref[...]) + c1b_ref[...]
        x = g_ref[pl.ds(0, B), :]
        h = jnp.maximum(dot_t(x, s1w_ref[...]) + t1, 0.0)
        h = norm_rows(h)
        h_s[...] = h
        d_s[...] = dot_t(h, adw_ref[...])
        logits_s[...] = jnp.zeros((B, TOPIC_K), jnp.float32)

    wm_c = wm_ref[...]
    w_c = dot_t(wm_c, aww_ref[...])
    logits_s[...] += dot(dot_t(d_s[...], w_c), wm_c)

    @pl.when(i == NCHUNK - 1)
    def _epilogue():
        logits = logits_s[...]
        m = jnp.max(logits, axis=-1, keepdims=True)
        p = jnp.exp(logits - m)
        att = p / jnp.sum(p, axis=-1, keepdims=True)
        out_ref[...] = norm_rows(h_s[...] * att)


def kernel(v, one_hop_list, two_hop_list, W_mat, topic_dist, conv2_w, conv2_b,
           self2_w, conv1_w, conv1_b, self1_w, att_d_w, att_W_w):
    xs = v.astype(jnp.int32).reshape(NW, BPW)
    one = one_hop_list.astype(jnp.int32).reshape(N1, 1)
    comb = jnp.concatenate(
        [xs, two_hop_list.astype(jnp.int32),
         jnp.broadcast_to(one, (N1, ROWS - ONE_AT))], axis=1)
    g = _sc_gather(comb, topic_dist)

    full = lambda s: pl.BlockSpec(s, lambda i: (0, 0))
    out = pl.pallas_call(
        _tc_body,
        grid=(NCHUNK,),
        in_specs=[
            full((B + 2 * N1, TOPIC_K)),
            pl.BlockSpec((VCHUNK, TOPIC_K), lambda i: (i, 0)),
            full((TOPIC_K, TOPIC_K)),
            full((1, TOPIC_K)),
            full((TOPIC_K, TOPIC_K)),
            full((TOPIC_K, TOPIC_K)),
            full((1, TOPIC_K)),
            full((TOPIC_K, TOPIC_K)),
            full((TOPIC_K, TOPIC_K)),
            full((TOPIC_K, TOPIC_K)),
        ],
        out_specs=full((B, TOPIC_K)),
        out_shape=jax.ShapeDtypeStruct((B, TOPIC_K), jnp.float32),
        scratch_shapes=[
            pltpu.VMEM((B, TOPIC_K), jnp.float32),
            pltpu.VMEM((B, TOPIC_K), jnp.float32),
            pltpu.VMEM((B, TOPIC_K), jnp.float32),
        ],
    )(g, W_mat, conv2_w, conv2_b.reshape(1, TOPIC_K),
      self2_w, conv1_w, conv1_b.reshape(1, TOPIC_K), self1_w, att_d_w, att_W_w)
    return out

# --- scband reference (transcript-rebuilt; emitter-appended) ---
"""Pipeline reference for scband-layer-stack-65884798321219 (READ-ONLY COPY).

The authoritative reference and input builder live on the scoring server;
editing this copy changes nothing except your own understanding.
"""

import jax, jax.numpy as jnp
import numpy as np

TOPIC_K = 128
DOC_NUM = 100000
B = 1024
N1 = 32
N2 = 16
V = 8192


def _normalize(x, axis):
    n = jnp.sqrt(jnp.sum(x * x, axis=axis, keepdims=True))
    return x / jnp.maximum(n, 1e-12)


def setup_inputs(seed: int = 0) -> dict:
    key = jax.random.key(seed)
    ks = jax.random.split(key, 12)
    s = 1.0 / np.sqrt(TOPIC_K)
    inp = {}
    inp["v"] = jax.random.randint(ks[0], (B,), 0, DOC_NUM, dtype=jnp.int64) if jax.config.jax_enable_x64 else jax.random.randint(ks[0], (B,), 0, DOC_NUM)
    inp["one_hop_list"] = jax.random.randint(ks[1], (N1,), 0, DOC_NUM)
    inp["two_hop_list"] = jax.random.randint(ks[2], (N1, N2), 0, DOC_NUM)
    inp["W_mat"] = jax.random.normal(ks[3], (V, TOPIC_K), dtype=jnp.float32)
    # learned parameters
    inp["topic_dist"] = jax.random.uniform(ks[4], (DOC_NUM, TOPIC_K), minval=-s, maxval=s, dtype=jnp.float32)
    inp["conv2_w"] = jax.random.normal(ks[5], (TOPIC_K, TOPIC_K), dtype=jnp.float32) * s
    inp["conv2_b"] = jnp.zeros((TOPIC_K,), dtype=jnp.float32)
    inp["self2_w"] = jax.random.normal(ks[6], (TOPIC_K, TOPIC_K), dtype=jnp.float32) * s
    inp["conv1_w"] = jax.random.normal(ks[7], (TOPIC_K, TOPIC_K), dtype=jnp.float32) * s
    inp["conv1_b"] = jnp.zeros((TOPIC_K,), dtype=jnp.float32)
    inp["self1_w"] = jax.random.normal(ks[8], (TOPIC_K, TOPIC_K), dtype=jnp.float32) * s
    inp["att_d_w"] = jax.random.normal(ks[9], (TOPIC_K, TOPIC_K), dtype=jnp.float32) * s
    inp["att_W_w"] = jax.random.normal(ks[10], (TOPIC_K, TOPIC_K), dtype=jnp.float32) * s
    return inp


def reference(v, one_hop_list, two_hop_list, W_mat, topic_dist,
              conv2_w, conv2_b, self2_w, conv1_w, conv1_b, self1_w,
              att_d_w, att_W_w):
    # embedding lookups (gathers)
    x = jnp.take(topic_dist, v, axis=0)                 # [B, k]
    one_hop_features = jnp.take(topic_dist, one_hop_list, axis=0)  # [N1, k]
    two_hop_features = jnp.take(topic_dist, two_hop_list, axis=0)  # [N1, N2, k]
    # two_hop_conv applied per one-hop neighbor (vectorized over the python loop)
    neighbor_mean2 = jnp.mean(two_hop_features, axis=1)            # [N1, k]
    out = neighbor_mean2 @ conv2_w.T + conv2_b + one_hop_features @ self2_w.T
    out = jax.nn.relu(out)
    out = _normalize(out, -1)                                      # [N1, k]
    # one_hop_conv(x, out)
    neighbor_mean1 = jnp.mean(out, axis=0)                         # [k]
    h = x @ self1_w.T + (neighbor_mean1 @ conv1_w.T + conv1_b)
    h = jax.nn.relu(h)
    h = _normalize(h, -1)                                          # [B, k]
    # Attention(h, W_mat)
    word_matrix = jnp.squeeze(W_mat)                               # [V, k]
    d = h @ att_d_w.T                                              # [B, k]
    W = word_matrix @ att_W_w.T                                    # [V, k]
    dW_T = d @ W.T                                                 # [B, V]
    att = jax.nn.softmax(dW_T @ word_matrix, axis=-1)              # [B, k]
    output = h * att
    return _normalize(output, 1)

if __name__ == "__main__":
    import jax
    _d = setup_inputs()
    print(jax.jit(kernel)(*tuple(_d.values())))

</pallas_src>

<mosaic_0001>
#map = affine_map<(d0, d1) -> (0, 0)>
module attributes {stable_mosaic.version = 14 : i64} {
  func.func @k(%arg0: i32, %arg1: i32, %arg2: memref<32x64xi32, #tpu.memory_space<hbm>>, %arg3: memref<100000x128xf32, #tpu.memory_space<hbm>>, %arg4: memref<1088x128xf32, #tpu.memory_space<hbm>>, %arg5: memref<64xi32, #tpu.memory_space<vmem>>, %arg6: memref<64x128xf32, #tpu.memory_space<vmem>>, %arg7: memref<1x128xf32, #tpu.memory_space<vmem>>, %arg8: memref<!tpu.dma_semaphore, #tpu.memory_space<semaphore_mem>>, %arg9: memref<!tpu.dma_semaphore, #tpu.memory_space<semaphore_mem>>) attributes {dimension_semantics = [#tpu.dimension_semantics<core_parallel>, #tpu.dimension_semantics<subcore_parallel>], iteration_bounds = array<i64: 2, 16>, scalar_prefetch = 0 : i64, scratch_operands = 5 : i64, tpu.core_type = #tpu.core_type<sc_vector_subcore>, window_params = [{transform_indices = #map}, {transform_indices = #map}, {transform_indices = #map}]} {
    %mul3A = arith.constant 2 : i32
    %mul3A_0 = arith.muli %arg1, %mul3A : i32
    %add3A = arith.addi %mul3A_0, %arg0 : i32
    "tpu.region"() ({
      %run_scoped3A = tpu.sem_alloc : memref<!tpu.dma_semaphore, #tpu.memory_space<semaphore_mem>>
      %dma_start3A_166 = arith.constant 0 : i32
      %dma_start3A_167 = tpu.memref_slice %arg2[%add3A, %dma_start3A_166] : memref<32x64xi32, #tpu.memory_space<hbm>> -> memref<1x64xi32, #tpu.memory_space<hbm>>
      %dma_start3A_168 = tpu.memref_squeeze %dma_start3A_167 : memref<1x64xi32, #tpu.memory_space<hbm>> -> memref<64xi32, #tpu.memory_space<hbm>>
      %dma_start3A_169 = arith.constant 0 : i32
      %dma_start3A_170 = tpu.memref_slice %arg2[%add3A, %dma_start3A_169] : memref<32x64xi32, #tpu.memory_space<hbm>> -> memref<1x64xi32, #tpu.memory_space<hbm>>
      %dma_start3A_171 = tpu.memref_squeeze %dma_start3A_170 : memref<1x64xi32, #tpu.memory_space<hbm>> -> memref<64xi32, #tpu.memory_space<hbm>>
      tpu.enqueue_dma source(%dma_start3A_171 : memref<64xi32, #tpu.memory_space<hbm>>) target(%arg5 : memref<64xi32, #tpu.memory_space<vmem>>) target_semaphore(%run_scoped3A : memref<!tpu.dma_semaphore, #tpu.memory_space<semaphore_mem>>)
      %dma_wait3A_172 = arith.constant 0 : i32
      %dma_wait3A_173 = tpu.memref_slice %arg2[%add3A, %dma_wait3A_172] : memref<32x64xi32, #tpu.memory_space<hbm>> -> memref<1x64xi32, #tpu.memory_space<hbm>>
      %dma_wait3A_174 = tpu.memref_squeeze %dma_wait3A_173 : memref<1x64xi32, #tpu.memory_space<hbm>> -> memref<64xi32, #tpu.memory_space<hbm>>
      %dma_wait3A_175 = arith.constant 0 : i32
      %dma_wait3A_176 = tpu.memref_slice %arg2[%add3A, %dma_wait3A_175] : memref<32x64xi32, #tpu.memory_space<hbm>> -> memref<1x64xi32, #tpu.memory_space<hbm>>
      %dma_wait3A_177 = tpu.memref_squeeze %dma_wait3A_176 : memref<1x64xi32, #tpu.memory_space<hbm>> -> memref<64xi32, #tpu.memory_space<hbm>>
      tpu.wait_dma2 semaphore(%run_scoped3A : memref<!tpu.dma_semaphore, #tpu.memory_space<semaphore_mem>>) src(%dma_wait3A_177 : memref<64xi32, #tpu.memory_space<hbm>>) dst(%arg5 : memref<64xi32, #tpu.memory_space<vmem>>)
      tpu.yield
    }) : () -> ()
    %dma_start3A = arith.constant 0 : i32
    %dma_start3A_1 = arith.constant 0 : i32
    %dma_start3A_2 = tpu.memref_slice %arg3[%dma_start3A, %dma_start3A_1] : memref<100000x128xf32, #tpu.memory_space<hbm>> -> memref<100000x128xf32, #tpu.memory_space<hbm>>
    tpu.enqueue_indirect_dma source(%dma_start3A_2 : memref<100000x128xf32, #tpu.memory_space<hbm>>) target(%arg6 : memref<64x128xf32, #tpu.memory_space<vmem>>) offsets(%arg5 : memref<64xi32, #tpu.memory_space<vmem>>) semaphore(%arg8 : memref<!tpu.dma_semaphore, #tpu.memory_space<semaphore_mem>>)
    %dma_wait3A = arith.constant 0 : i32
    %dma_wait3A_3 = arith.constant 0 : i32
    %dma_wait3A_4 = tpu.memref_slice %arg3[%dma_wait3A, %dma_wait3A_3] : memref<100000x128xf32, #tpu.memory_space<hbm>> -> memref<100000x128xf32, #tpu.memory_space<hbm>>
    tpu.wait_indirect_dma semaphore(%arg8 : memref<!tpu.dma_semaphore, #tpu.memory_space<semaphore_mem>>) src(%dma_wait3A_4 : memref<100000x128xf32, #tpu.memory_space<hbm>>) dst(%arg6 : memref<64x128xf32, #tpu.memory_space<vmem>>)
    %mul3A_5 = arith.constant 32 : i32
    %mul3A_6 = arith.muli %add3A, %mul3A_5 : i32
    %dma_start3A_7 = arith.constant 0 : i32
    %dma_start3A_8 = arith.constant 0 : i32
    %dma_start3A_9 = tpu.memref_slice %arg6[%dma_start3A_7, %dma_start3A_8] : memref<64x128xf32, #tpu.memory_space<vmem>> -> memref<32x128xf32, #tpu.memory_space<vmem>>
    %dma_start3A_10 = arith.constant 0 : i32
    %dma_start3A_11 = tpu.memref_slice %arg4[%mul3A_6, %dma_start3A_10] : memref<1088x128xf32, #tpu.memory_space<hbm>> -> memref<32x128xf32, #tpu.memory_space<hbm>>
    %dma_start3A_12 = arith.constant 0 : i32
    %dma_start3A_13 = tpu.memref_slice %arg4[%mul3A_6, %dma_start3A_12] : memref<1088x128xf32, #tpu.memory_space<hbm>> -> memref<32x128xf32, #tpu.memory_space<hbm>>
    %dma_start3A_14 = arith.constant 0 : i32
    %dma_start3A_15 = arith.constant 0 : i32
    %dma_start3A_16 = tpu.memref_slice %arg6[%dma_start3A_14, %dma_start3A_15] : memref<64x128xf32, #tpu.memory_space<vmem>> -> memref<32x128xf32, #tpu.memory_space<vmem>>
    tpu.enqueue_dma source(%dma_start3A_16 : memref<32x128xf32, #tpu.memory_space<vmem>>) target(%dma_start3A_13 : memref<32x128xf32, #tpu.memory_space<hbm>>) target_semaphore(%arg9 : memref<!tpu.dma_semaphore, #tpu.memory_space<semaphore_mem>>)
    %add3A_17 = arith.constant 1024 : i32
    %add3A_18 = arith.addi %add3A_17, %add3A : i32
    %dma_start3A_19 = arith.constant 48 : i32
    %dma_start3A_20 = arith.constant 0 : i32
    %dma_start3A_21 = tpu.memref_slice %arg6[%dma_start3A_19, %dma_start3A_20] : memref<64x128xf32, #tpu.memory_space<vmem>> -> memref<1x128xf32, #tpu.memory_space<vmem>>
    %dma_start3A_22 = arith.constant 0 : i32
    %dma_start3A_23 = tpu.memref_slice %arg4[%add3A_18, %dma_start3A_22] : memref<1088x128xf32, #tpu.memory_space<hbm>> -> memref<1x128xf32, #tpu.memory_space<hbm>>
    %dma_start3A_24 = arith.constant 0 : i32
    %dma_start3A_25 = tpu.memref_slice %arg4[%add3A_18, %dma_start3A_24] : memref<1088x128xf32, #tpu.memory_space<hbm>> -> memref<1x128xf32, #tpu.memory_space<hbm>>
    %dma_start3A_26 = arith.constant 48 : i32
    %dma_start3A_27 = arith.constant 0 : i32
    %dma_start3A_28 = tpu.memref_slice %arg6[%dma_start3A_26, %dma_start3A_27] : memref<64x128xf32, #tpu.memory_space<vmem>> -> memref<1x128xf32, #tpu.memory_space<vmem>>
    tpu.enqueue_dma source(%dma_start3A_28 : memref<1x128xf32, #tpu.memory_space<vmem>>) target(%dma_start3A_25 : memref<1x128xf32, #tpu.memory_space<hbm>>) target_semaphore(%arg9 : memref<!tpu.dma_semaphore, #tpu.memory_space<semaphore_mem>>)
    %get3A = arith.constant 32 : i32
    %get3A_29 = arith.index_cast %get3A : i32 to index
    %get3A_30 = arith.constant 0 : index
    %get3A_31 = tpu.vector_load %arg6[%get3A_29, %get3A_30] {strides = array<i32>} : memref<64x128xf32, #tpu.memory_space<vmem>>, vector<1x16xf32>,
    %get3A_32 = vector.shape_cast %get3A_31 : vector<1x16xf32> to vector<16xf32>
    %get3A_33 = arith.constant 32 : i32
    %get3A_34 = arith.index_cast %get3A_33 : i32 to index
    %get3A_35 = arith.constant 16 : index
    %get3A_36 = tpu.vector_load %arg6[%get3A_34, %get3A_35] {strides = array<i32>} : memref<64x128xf32, #tpu.memory_space<vmem>>, vector<1x16xf32>,
    %get3A_37 = vector.shape_cast %get3A_36 : vector<1x16xf32> to vector<16xf32>
    %get3A_38 = arith.constant 32 : i32
    %get3A_39 = arith.index_cast %get3A_38 : i32 to index
    %get3A_40 = arith.constant 32 : index
    %get3A_41 = tpu.vector_load %arg6[%get3A_39, %get3A_40] {strides = array<i32>} : memref<64x128xf32, #tpu.memory_space<vmem>>, vector<1x16xf32>,
    %get3A_42 = vector.shape_cast %get3A_41 : vector<1x16xf32> to vector<16xf32>
    %get3A_43 = arith.constant 32 : i32
    %get3A_44 = arith.index_cast %get3A_43 : i32 to index
    %get3A_45 = arith.constant 48 : index
    %get3A_46 = tpu.vector_load %arg6[%get3A_44, %get3A_45] {strides = array<i32>} : memref<64x128xf32, #tpu.memory_space<vmem>>, vector<1x16xf32>,
    %get3A_47 = vector.shape_cast %get3A_46 : vector<1x16xf32> to vector<16xf32>
    %get3A_48 = arith.constant 32 : i32
    %get3A_49 = arith.index_cast %get3A_48 : i32 to index
    %get3A_50 = arith.constant 64 : index
    %get3A_51 = tpu.vector_load %arg6[%get3A_49, %get3A_50] {strides = array<i32>} : memref<64x128xf32, #tpu.memory_space<vmem>>, vector<1x16xf32>,
    %get3A_52 = vector.shape_cast %get3A_51 : vector<1x16xf32> to vector<16xf32>
    %get3A_53 = arith.constant 32 : i32
    %get3A_54 = arith.index_cast %get3A_53 : i32 to index
    %get3A_55 = arith.constant 80 : index
    %get3A_56 = tpu.vector_load %arg6[%get3A_54, %get3A_55] {strides = array<i32>} : memref<64x128xf32, #tpu.memory_space<vmem>>, vector<1x16xf32>,
    %get3A_57 = vector.shape_cast %get3A_56 : vector<1x16xf32> to vector<16xf32>
    %get3A_58 = arith.constant 32 : i32
    %get3A_59 = arith.index_cast %get3A_58 : i32 to index
    %get3A_60 = arith.constant 96 : index
    %get3A_61 = tpu.vector_load %arg6[%get3A_59, %get3A_60] {strides = array<i32>} : memref<64x128xf32, #tpu.memory_space<vmem>>, vector<1x16xf32>,
    %get3A_62 = vector.shape_cast %get3A_61 : vector<1x16xf32> to vector<16xf32>
    %get3A_63 = arith.constant 32 : i32
    %get3A_64 = arith.index_cast %get3A_63 : i32 to index
    %get3A_65 = arith.constant 112 : index
    %get3A_66 = tpu.vector_load %arg6[%get3A_64, %get3A_65] {strides = array<i32>} : memref<64x128xf32, #tpu.memory_space<vmem>>, vector<1x16xf32>,
    %get3A_67 = vector.shape_cast %get3A_66 : vector<1x16xf32> to vector<16xf32>
    %scan3A = arith.constant 1 : i32
    %scan3A_68 = arith.constant 15 : i32
    %scan3A_69 = arith.addi %scan3A, %scan3A_68 : i32
    %scan3A_70 = arith.constant 1 : i32
    %scan3A_71:8 = scf.for %scan3A_166 = %scan3A to %scan3A_69 step %scan3A_70 iter_args(%scan3A_167 = %get3A_32, %scan3A_168 = %get3A_37, %scan3A_169 = %get3A_42, %scan3A_170 = %get3A_47, %scan3A_171 = %get3A_52, %scan3A_172 = %get3A_57, %scan3A_173 = %get3A_62, %scan3A_174 = %get3A_67) -> (vector<16xf32>, vector<16xf32>, vector<16xf32>, vector<16xf32>, vector<16xf32>, vector<16xf32>, vector<16xf32>, vector<16xf32>)  : i32 {
      %add3A_175 = arith.constant 32 : i32
      %add3A_176 = arith.addi %add3A_175, %scan3A_166 : i32
      %get3A_177 = arith.index_cast %add3A_176 : i32 to index
      %get3A_178 = arith.constant 0 : index
      %get3A_179 = tpu.vector_load %arg6[%get3A_177, %get3A_178] {strides = array<i32>} : memref<64x128xf32, #tpu.memory_space<vmem>>, vector<1x16xf32>,
      %get3A_180 = vector.shape_cast %get3A_179 : vector<1x16xf32> to vector<16xf32>
      %add3A_181 = arith.addf %scan3A_167, %get3A_180 : vector<16xf32>
      %add3A_182 = arith.constant 32 : i32
      %add3A_183 = arith.addi %add3A_182, %scan3A_166 : i32
      %get3A_184 = arith.index_cast %add3A_183 : i32 to index
      %get3A_185 = arith.constant 16 : index
      %get3A_186 = tpu.vector_load %arg6[%get3A_184, %get3A_185] {strides = array<i32>} : memref<64x128xf32, #tpu.memory_space<vmem>>, vector<1x16xf32>,
      %get3A_187 = vector.shape_cast %get3A_186 : vector<1x16xf32> to vector<16xf32>
      %add3A_188 = arith.addf %scan3A_168, %get3A_187 : vector<16xf32>
      %add3A_189 = arith.constant 32 : i32
      %add3A_190 = arith.addi %add3A_189, %scan3A_166 : i32
      %get3A_191 = arith.index_cast %add3A_190 : i32 to index
      %get3A_192 = arith.constant 32 : index
      %get3A_193 = tpu.vector_load %arg6[%get3A_191, %get3A_192] {strides = array<i32>} : memref<64x128xf32, #tpu.memory_space<vmem>>, vector<1x16xf32>,
      %get3A_194 = vector.shape_cast %get3A_193 : vector<1x16xf32> to vector<16xf32>
      %add3A_195 = arith.addf %scan3A_169, %get3A_194 : vector<16xf32>
      %add3A_196 = arith.constant 32 : i32
      %add3A_197 = arith.addi %add3A_196, %scan3A_166 : i32
      %get3A_198 = arith.index_cast %add3A_197 : i32 to index
      %get3A_199 = arith.constant 48 : index
      %get3A_200 = tpu.vector_load %arg6[%get3A_198, %get3A_199] {strides = array<i32>} : memref<64x128xf32, #tpu.memory_space<vmem>>, vector<1x16xf32>,
      %get3A_201 = vector.shape_cast %get3A_200 : vector<1x16xf32> to vector<16xf32>
      %add3A_202 = arith.addf %scan3A_170, %get3A_201 : vector<16xf32>
      %add3A_203 = arith.constant 32 : i32
      %add3A_204 = arith.addi %add3A_203, %scan3A_166 : i32
      %get3A_205 = arith.index_cast %add3A_204 : i32 to index
      %get3A_206 = arith.constant 64 : index
      %get3A_207 = tpu.vector_load %arg6[%get3A_205, %get3A_206] {strides = array<i32>} : memref<64x128xf32, #tpu.memory_space<vmem>>, vector<1x16xf32>,
      %get3A_208 = vector.shape_cast %get3A_207 : vector<1x16xf32> to vector<16xf32>
      %add3A_209 = arith.addf %scan3A_171, %get3A_208 : vector<16xf32>
      %add3A_210 = arith.constant 32 : i32
      %add3A_211 = arith.addi %add3A_210, %scan3A_166 : i32
      %get3A_212 = arith.index_cast %add3A_211 : i32 to index
      %get3A_213 = arith.constant 80 : index
      %get3A_214 = tpu.vector_load %arg6[%get3A_212, %get3A_213] {strides = array<i32>} : memref<64x128xf32, #tpu.memory_space<vmem>>, vector<1x16xf32>,
      %get3A_215 = vector.shape_cast %get3A_214 : vector<1x16xf32> to vector<16xf32>
      %add3A_216 = arith.addf %scan3A_172, %get3A_215 : vector<16xf32>
      %add3A_217 = arith.constant 32 : i32
      %add3A_218 = arith.addi %add3A_217, %scan3A_166 : i32
      %get3A_219 = arith.index_cast %add3A_218 : i32 to index
      %get3A_220 = arith.constant 96 : index
      %get3A_221 = tpu.vector_load %arg6[%get3A_219, %get3A_220] {strides = array<i32>} : memref<64x128xf32, #tpu.memory_space<vmem>>, vector<1x16xf32>,
      %get3A_222 = vector.shape_cast %get3A_221 : vector<1x16xf32> to vector<16xf32>
      %add3A_223 = arith.addf %scan3A_173, %get3A_222 : vector<16xf32>
      %add3A_224 = arith.constant 32 : i32
      %add3A_225 = arith.addi %add3A_224, %scan3A_166 : i32
      %get3A_226 = arith.index_cast %add3A_225 : i32 to index
      %get3A_227 = arith.constant 112 : index
      %get3A_228 = tpu.vector_load %arg6[%get3A_226, %get3A_227] {strides = array<i32>} : memref<64x128xf32, #tpu.memory_space<vmem>>, vector<1x16xf32>,
      %get3A_229 = vector.shape_cast %get3A_228 : vector<1x16xf32> to vector<16xf32>
      %add3A_230 = arith.addf %scan3A_174, %get3A_229 : vector<16xf32>
      scf.yield %add3A_181, %add3A_188, %add3A_195, %add3A_202, %add3A_209, %add3A_216, %add3A_223, %add3A_230 : vector<16xf32>, vector<16xf32>, vector<16xf32>, vector<16xf32>, vector<16xf32>, vector<16xf32>, vector<16xf32>, vector<16xf32>
    }
    %scan3A_72 = arith.constant 15 : i32
    %mul3A_73 = arith.constant 6.250000e-02 : f32
    %mul3A_74 = vector.broadcast %mul3A_73 : f32 to vector<16xf32>
    %mul3A_75 = arith.mulf %scan3A_71#0, %mul3A_74 : vector<16xf32>
    %swap3A = arith.constant 0 : i32
    %swap3A_76 = arith.index_cast %swap3A : i32 to index
    %swap3A_77 = arith.constant 0 : index
    %swap3A_78 = tpu.vector_load %arg7[%swap3A_76, %swap3A_77] {strides = array<i32>} : memref<1x128xf32, #tpu.memory_space<vmem>>, vector<1x16xf32>,
    %swap3A_79 = vector.shape_cast %swap3A_78 : vector<1x16xf32> to vector<16xf32>
    %swap3A_80 = vector.shape_cast %mul3A_75 : vector<16xf32> to vector<1x16xf32>
    tpu.vector_store %arg7[%swap3A_76, %swap3A_77], %swap3A_80 {strides = array<i32>} : memref<1x128xf32, #tpu.memory_space<vmem>>, vector<1x16xf32>,
    %mul3A_81 = arith.constant 6.250000e-02 : f32
    %mul3A_82 = vector.broadcast %mul3A_81 : f32 to vector<16xf32>
    %mul3A_83 = arith.mulf %scan3A_71#1, %mul3A_82 : vector<16xf32>
    %swap3A_84 = arith.constant 0 : i32
    %swap3A_85 = arith.index_cast %swap3A_84 : i32 to index
    %swap3A_86 = arith.constant 16 : index
    %swap3A_87 = tpu.vector_load %arg7[%swap3A_85, %swap3A_86] {strides = array<i32>} : memref<1x128xf32, #tpu.memory_space<vmem>>, vector<1x16xf32>,
    %swap3A_88 = vector.shape_cast %swap3A_87 : vector<1x16xf32> to vector<16xf32>
    %swap3A_89 = vector.shape_cast %mul3A_83 : vector<16xf32> to vector<1x16xf32>
    tpu.vector_store %arg7[%swap3A_85, %swap3A_86], %swap3A_89 {strides = array<i32>} : memref<1x128xf32, #tpu.memory_space<vmem>>, vector<1x16xf32>,
    %mul3A_90 = arith.constant 6.250000e-02 : f32
    %mul3A_91 = vector.broadcast %mul3A_90 : f32 to vector<16xf32>
    %mul3A_92 = arith.mulf %scan3A_71#2, %mul3A_91 : vector<16xf32>
    %swap3A_93 = arith.constant 0 : i32
    %swap3A_94 = arith.index_cast %swap3A_93 : i32 to index
    %swap3A_95 = arith.constant 32 : index
    %swap3A_96 = tpu.vector_load %arg7[%swap3A_94, %swap3A_95] {strides = array<i32>} : memref<1x128xf32, #tpu.memory_space<vmem>>, vector<1x16xf32>,
    %swap3A_97 = vector.shape_cast %swap3A_96 : vector<1x16xf32> to vector<16xf32>
    %swap3A_98 = vector.shape_cast %mul3A_92 : vector<16xf32> to vector<1x16xf32>
    tpu.vector_store %arg7[%swap3A_94, %swap3A_95], %swap3A_98 {strides = array<i32>} : memref<1x128xf32, #tpu.memory_space<vmem>>, vector<1x16xf32>,
    %mul3A_99 = arith.constant 6.250000e-02 : f32
    %mul3A_100 = vector.broadcast %mul3A_99 : f32 to vector<16xf32>
    %mul3A_101 = arith.mulf %scan3A_71#3, %mul3A_100 : vector<16xf32>
    %swap3A_102 = arith.constant 0 : i32
    %swap3A_103 = arith.index_cast %swap3A_102 : i32 to index
    %swap3A_104 = arith.constant 48 : index
    %swap3A_105 = tpu.vector_load %arg7[%swap3A_103, %swap3A_104] {strides = array<i32>} : memref<1x128xf32, #tpu.memory_space<vmem>>, vector<1x16xf32>,
    %swap3A_106 = vector.shape_cast %swap3A_105 : vector<1x16xf32> to vector<16xf32>
    %swap3A_107 = vector.shape_cast %mul3A_101 : vector<16xf32> to vector<1x16xf32>
    tpu.vector_store %arg7[%swap3A_103, %swap3A_104], %swap3A_107 {strides = array<i32>} : memref<1x128xf32, #tpu.memory_space<vmem>>, vector<1x16xf32>,
    %mul3A_108 = arith.constant 6.250000e-02 : f32
    %mul3A_109 = vector.broadcast %mul3A_108 : f32 to vector<16xf32>
    %mul3A_110 = arith.mulf %scan3A_71#4, %mul3A_109 : vector<16xf32>
    %swap3A_111 = arith.constant 0 : i32
    %swap3A_112 = arith.index_cast %swap3A_111 : i32 to index
    %swap3A_113 = arith.constant 64 : index
    %swap3A_114 = tpu.vector_load %arg7[%swap3A_112, %swap3A_113] {strides = array<i32>} : memref<1x128xf32, #tpu.memory_space<vmem>>, vector<1x16xf32>,
    %swap3A_115 = vector.shape_cast %swap3A_114 : vector<1x16xf32> to vector<16xf32>
    %swap3A_116 = vector.shape_cast %mul3A_110 : vector<16xf32> to vector<1x16xf32>
    tpu.vector_store %arg7[%swap3A_112, %swap3A_113], %swap3A_116 {strides = array<i32>} : memref<1x128xf32, #tpu.memory_space<vmem>>, vector<1x16xf32>,
    %mul3A_117 = arith.constant 6.250000e-02 : f32
    %mul3A_118 = vector.broadcast %mul3A_117 : f32 to vector<16xf32>
    %mul3A_119 = arith.mulf %scan3A_71#5, %mul3A_118 : vector<16xf32>
    %swap3A_120 = arith.constant 0 : i32
    %swap3A_121 = arith.index_cast %swap3A_120 : i32 to index
    %swap3A_122 = arith.constant 80 : index
    %swap3A_123 = tpu.vector_load %arg7[%swap3A_121, %swap3A_122] {strides = array<i32>} : memref<1x128xf32, #tpu.memory_space<vmem>>, vector<1x16xf32>,
    %swap3A_124 = vector.shape_cast %swap3A_123 : vector<1x16xf32> to vector<16xf32>
    %swap3A_125 = vector.shape_cast %mul3A_119 : vector<16xf32> to vector<1x16xf32>
    tpu.vector_store %arg7[%swap3A_121, %swap3A_122], %swap3A_125 {strides = array<i32>} : memref<1x128xf32, #tpu.memory_space<vmem>>, vector<1x16xf32>,
    %mul3A_126 = arith.constant 6.250000e-02 : f32
    %mul3A_127 = vector.broadcast %mul3A_126 : f32 to vector<16xf32>
    %mul3A_128 = arith.mulf %scan3A_71#6, %mul3A_127 : vector<16xf32>
    %swap3A_129 = arith.constant 0 : i32
    %swap3A_130 = arith.index_cast %swap3A_129 : i32 to index
    %swap3A_131 = arith.constant 96 : index
    %swap3A_132 = tpu.vector_load %arg7[%swap3A_130, %swap3A_131] {strides = array<i32>} : memref<1x128xf32, #tpu.memory_space<vmem>>, vector<1x16xf32>,
    %swap3A_133 = vector.shape_cast %swap3A_132 : vector<1x16xf32> to vector<16xf32>
    %swap3A_134 = vector.shape_cast %mul3A_128 : vector<16xf32> to vector<1x16xf32>
    tpu.vector_store %arg7[%swap3A_130, %swap3A_131], %swap3A_134 {strides = array<i32>} : memref<1x128xf32, #tpu.memory_space<vmem>>, vector<1x16xf32>,
    %mul3A_135 = arith.constant 6.250000e-02 : f32
    %mul3A_136 = vector.broadcast %mul3A_135 : f32 to vector<16xf32>
    %mul3A_137 = arith.mulf %scan3A_71#7, %mul3A_136 : vector<16xf32>
    %swap3A_138 = arith.constant 0 : i32
    %swap3A_139 = arith.index_cast %swap3A_138 : i32 to index
    %swap3A_140 = arith.constant 112 : index
    %swap3A_141 = tpu.vector_load %arg7[%swap3A_139, %swap3A_140] {strides = array<i32>} : memref<1x128xf32, #tpu.memory_space<vmem>>, vector<1x16xf32>,
    %swap3A_142 = vector.shape_cast %swap3A_141 : vector<1x16xf32> to vector<16xf32>
    %swap3A_143 = vector.shape_cast %mul3A_137 : vector<16xf32> to vector<1x16xf32>
    tpu.vector_store %arg7[%swap3A_139, %swap3A_140], %swap3A_143 {strides = array<i32>} : memref<1x128xf32, #tpu.memory_space<vmem>>, vector<1x16xf32>,
    %add3A_144 = arith.constant 1056 : i32
    %add3A_145 = arith.addi %add3A_144, %add3A : i32
    "tpu.region"() ({
      %run_scoped3A = tpu.sem_alloc : memref<!tpu.dma_semaphore, #tpu.memory_space<semaphore_mem>>
      %dma_start3A_166 = arith.constant 0 : i32
      %dma_start3A_167 = tpu.memref_slice %arg4[%add3A_145, %dma_start3A_166] : memref<1088x128xf32, #tpu.memory_space<hbm>> -> memref<1x128xf32, #tpu.memory_space<hbm>>
      %dma_start3A_168 = arith.constant 0 : i32
      %dma_start3A_169 = tpu.memref_slice %arg4[%add3A_145, %dma_start3A_168] : memref<1088x128xf32, #tpu.memory_space<hbm>> -> memref<1x128xf32, #tpu.memory_space<hbm>>
      tpu.enqueue_dma source(%arg7 : memref<1x128xf32, #tpu.memory_space<vmem>>) target(%dma_start3A_169 : memref<1x128xf32, #tpu.memory_space<hbm>>) target_semaphore(%run_scoped3A : memref<!tpu.dma_semaphore, #tpu.memory_space<semaphore_mem>>)
      %dma_wait3A_170 = arith.constant 0 : i32
      %dma_wait3A_171 = tpu.memref_slice %arg4[%add3A_145, %dma_wait3A_170] : memref<1088x128xf32, #tpu.memory_space<hbm>> -> memref<1x128xf32, #tpu.memory_space<hbm>>
      %dma_wait3A_172 = arith.constant 0 : i32
      %dma_wait3A_173 = tpu.memref_slice %arg4[%add3A_145, %dma_wait3A_172] : memref<1088x128xf32, #tpu.memory_space<hbm>> -> memref<1x128xf32, #tpu.memory_space<hbm>>
      tpu.wait_dma2 semaphore(%run_scoped3A : memref<!tpu.dma_semaphore, #tpu.memory_space<semaphore_mem>>) src(%arg7 : memref<1x128xf32, #tpu.memory_space<vmem>>) dst(%dma_wait3A_173 : memref<1x128xf32, #tpu.memory_space<hbm>>)
      tpu.yield
    }) : () -> ()
    %dma_wait3A_146 = arith.constant 0 : i32
    %dma_wait3A_147 = arith.constant 0 : i32
    %dma_wait3A_148 = tpu.memref_slice %arg6[%dma_wait3A_146, %dma_wait3A_147] : memref<64x128xf32, #tpu.memory_space<vmem>> -> memref<32x128xf32, #tpu.memory_space<vmem>>
    %dma_wait3A_149 = arith.constant 0 : i32
    %dma_wait3A_150 = tpu.memref_slice %arg4[%mul3A_6, %dma_wait3A_149] : memref<1088x128xf32, #tpu.memory_space<hbm>> -> memref<32x128xf32, #tpu.memory_space<hbm>>
    %dma_wait3A_151 = arith.constant 0 : i32
    %dma_wait3A_152 = tpu.memref_slice %arg4[%mul3A_6, %dma_wait3A_151] : memref<1088x128xf32, #tpu.memory_space<hbm>> -> memref<32x128xf32, #tpu.memory_space<hbm>>
    %dma_wait3A_153 = arith.constant 0 : i32
    %dma_wait3A_154 = arith.constant 0 : i32
    %dma_wait3A_155 = tpu.memref_slice %arg6[%dma_wait3A_153, %dma_wait3A_154] : memref<64x128xf32, #tpu.memory_space<vmem>> -> memref<32x128xf32, #tpu.memory_space<vmem>>
    tpu.wait_dma2 semaphore(%arg9 : memref<!tpu.dma_semaphore, #tpu.memory_space<semaphore_mem>>) src(%dma_wait3A_155 : memref<32x128xf32, #tpu.memory_space<vmem>>) dst(%dma_wait3A_152 : memref<32x128xf32, #tpu.memory_space<hbm>>)
    %dma_wait3A_156 = arith.constant 48 : i32
    %dma_wait3A_157 = arith.constant 0 : i32
    %dma_wait3A_158 = tpu.memref_slice %arg6[%dma_wait3A_156, %dma_wait3A_157] : memref<64x128xf32, #tpu.memory_space<vmem>> -> memref<1x128xf32, #tpu.memory_space<vmem>>
    %dma_wait3A_159 = arith.constant 0 : i32
    %dma_wait3A_160 = tpu.memref_slice %arg4[%add3A_18, %dma_wait3A_159] : memref<1088x128xf32, #tpu.memory_space<hbm>> -> memref<1x128xf32, #tpu.memory_space<hbm>>
    %dma_wait3A_161 = arith.constant 0 : i32
    %dma_wait3A_162 = tpu.memref_slice %arg4[%add3A_18, %dma_wait3A_161] : memref<1088x128xf32, #tpu.memory_space<hbm>> -> memref<1x128xf32, #tpu.memory_space<hbm>>
    %dma_wait3A_163 = arith.constant 48 : i32
    %dma_wait3A_164 = arith.constant 0 : i32
    %dma_wait3A_165 = tpu.memref_slice %arg6[%dma_wait3A_163, %dma_wait3A_164] : memref<64x128xf32, #tpu.memory_space<vmem>> -> memref<1x128xf32, #tpu.memory_space<vmem>>
    tpu.wait_dma2 semaphore(%arg9 : memref<!tpu.dma_semaphore, #tpu.memory_space<semaphore_mem>>) src(%dma_wait3A_165 : memref<1x128xf32, #tpu.memory_space<vmem>>) dst(%dma_wait3A_162 : memref<1x128xf32, #tpu.memory_space<hbm>>)
    return
  }
}

module attributes {stable_mosaic.version = 14 : i64} {
  func.func @_tc_body(%arg0: i32, %arg1: memref<1088x128xf32, #tpu.memory_space<vmem>>, %arg2: memref<4096x128xf32, #tpu.memory_space<vmem>>, %arg3: memref<128x128xf32, #tpu.memory_space<vmem>>, %arg4: memref<1x128xf32, #tpu.memory_space<vmem>>, %arg5: memref<128x128xf32, #tpu.memory_space<vmem>>, %arg6: memref<128x128xf32, #tpu.memory_space<vmem>>, %arg7: memref<1x128xf32, #tpu.memory_space<vmem>>, %arg8: memref<128x128xf32, #tpu.memory_space<vmem>>, %arg9: memref<128x128xf32, #tpu.memory_space<vmem>>, %arg10: memref<128x128xf32, #tpu.memory_space<vmem>>, %arg11: memref<1024x128xf32, #tpu.memory_space<vmem>>, %arg12: memref<1024x128xf32, #tpu.memory_space<vmem>>, %arg13: memref<1024x128xf32, #tpu.memory_space<vmem>>, %arg14: memref<1024x128xf32, #tpu.memory_space<vmem>>) attributes {dimension_semantics = [#tpu.dimension_semantics<arbitrary>], iteration_bounds = array<i64: 2>, scalar_prefetch = 0 : i64, scratch_operands = 3 : i64, tpu.core_type = #tpu.core_type<tc>, window_params = [{pipeline_mode = #tpu.pipeline_mode<synchronous>, transform_indices = @transform_0, window_bounds = array<i64: 1088, 128>}, {transform_indices = @transform_1, window_bounds = array<i64: 4096, 128>}, {pipeline_mode = #tpu.pipeline_mode<synchronous>, transform_indices = @transform_2, window_bounds = array<i64: 128, 128>}, {pipeline_mode = #tpu.pipeline_mode<synchronous>, transform_indices = @transform_3, window_bounds = array<i64: 1, 128>}, {pipeline_mode = #tpu.pipeline_mode<synchronous>, transform_indices = @transform_4, window_bounds = array<i64: 128, 128>}, {pipeline_mode = #tpu.pipeline_mode<synchronous>, transform_indices = @transform_5, window_bounds = array<i64: 128, 128>}, {pipeline_mode = #tpu.pipeline_mode<synchronous>, transform_indices = @transform_6, window_bounds = array<i64: 1, 128>}, {pipeline_mode = #tpu.pipeline_mode<synchronous>, transform_indices = @transform_7, window_bounds = array<i64: 128, 128>}, {pipeline_mode = #tpu.pipeline_mode<synchronous>, transform_indices = @transform_8, window_bounds = array<i64: 128, 128>}, {pipeline_mode = #tpu.pipeline_mode<synchronous>, transform_indices = @transform_9, window_bounds = array<i64: 128, 128>}, {pipeline_mode = #tpu.pipeline_mode<synchronous>, transform_indices = @transform_10, window_bounds = array<i64: 1024, 128>}]} {
    %eq3A = arith.constant 0 : i32
    %eq3A_0 = arith.cmpi eq, %arg0, %eq3A : i32
    %convert_element_type3A = arith.extui %eq3A_0 : i1 to i32
    %cond3A = arith.constant 0 : i32
    %cond3A_1 = arith.cmpi ne, %convert_element_type3A, %cond3A : i32
    scf.if %cond3A_1 {
      %get3A_25 = arith.constant 1024 : index
      %get3A_26 = arith.constant 0 : index
      %get3A_27 = vector.load %arg1[%get3A_25, %get3A_26] : memref<1088x128xf32, #tpu.memory_space<vmem>>, vector<32x128xf32>
      %get3A_28 = arith.constant 1056 : index
      %get3A_29 = arith.constant 0 : index
      %get3A_30 = vector.load %arg1[%get3A_28, %get3A_29] : memref<1088x128xf32, #tpu.memory_space<vmem>>, vector<32x128xf32>
      %get3A_31 = arith.constant 0 : index
      %get3A_32 = arith.constant 0 : index
      %get3A_33 = vector.load %arg3[%get3A_31, %get3A_32] : memref<128x128xf32, #tpu.memory_space<vmem>>, vector<128x128xf32>
      %dot_general3A_34 = arith.constant dense<0.000000e+00> : vector<32x128xf32>
      %dot_general3A_35 = tpu.matmul %get3A_30, %get3A_33, %dot_general3A_34 {dimension_numbers = #tpu.dot_dimension_numbers<[1], [1], [0], [0], [0, 0, 1, 0], [], []>, transpose_lhs_hint = false} : vector<32x128xf32>, vector<128x128xf32>, vector<32x128xf32> -> vector<32x128xf32>
      %get3A_36 = arith.constant 0 : index
      %get3A_37 = arith.constant 0 : index
      %get3A_38 = vector.load %arg4[%get3A_36, %get3A_37] : memref<1x128xf32, #tpu.memory_space<vmem>>, vector<1x128xf32>
      %add3A_39 = vector.broadcast %get3A_38 : vector<1x128xf32> to vector<32x128xf32>
      %add3A_40 = arith.addf %dot_general3A_35, %add3A_39 : vector<32x128xf32>
      %get3A_41 = arith.constant 0 : index
      %get3A_42 = arith.constant 0 : index
      %get3A_43 = vector.load %arg5[%get3A_41, %get3A_42] : memref<128x128xf32, #tpu.memory_space<vmem>>, vector<128x128xf32>
      %dot_general3A_44 = arith.constant dense<0.000000e+00> : vector<32x128xf32>
      %dot_general3A_45 = tpu.matmul %get3A_27, %get3A_43, %dot_general3A_44 {dimension_numbers = #tpu.dot_dimension_numbers<[1], [1], [0], [0], [0, 0, 1, 0], [], []>, transpose_lhs_hint = false} : vector<32x128xf32>, vector<128x128xf32>, vector<32x128xf32> -> vector<32x128xf32>
      %add3A_46 = arith.addf %add3A_40, %dot_general3A_45 : vector<32x128xf32>
      %max3A = arith.constant 0.000000e+00 : f32
      %max3A_47 = vector.broadcast %max3A : f32 to vector<32x128xf32>
      %max3A_48 = arith.maximumf %add3A_46, %max3A_47 : vector<32x128xf32>
      %mul3A = arith.mulf %max3A_48, %max3A_48 : vector<32x128xf32>
      %reduce_sum3A = arith.constant dense<0.000000e+00> : vector<32xf32>
      %reduce_sum3A_49 = vector.multi_reduction <add>, %mul3A, %reduce_sum3A [1] : vector<32x128xf32> to vector<32xf32>
      %broadcast_in_dim3A = vector.shape_cast %reduce_sum3A_49 : vector<32xf32> to vector<32x1xf32>
      %sqrt3A = math.sqrt %broadcast_in_dim3A : vector<32x1xf32>
      %max3A_50 = arith.constant 9.99999996E-13 : f32
      %max3A_51 = vector.broadcast %max3A_50 : f32 to vector<32x1xf32>
      %max3A_52 = arith.maximumf %sqrt3A, %max3A_51 : vector<32x1xf32>
      %div3A = vector.broadcast %max3A_52 : vector<32x1xf32> to vector<32x128xf32>
      %div3A_53 = arith.divf %max3A_48, %div3A : vector<32x128xf32>
      %reduce_sum3A_54 = arith.constant dense<0.000000e+00> : vector<128xf32>
      %reduce_sum3A_55 = vector.multi_reduction <add>, %div3A_53, %reduce_sum3A_54 [0] : vector<32x128xf32> to vector<128xf32>
      %broadcast_in_dim3A_56 = vector.shape_cast %reduce_sum3A_55 : vector<128xf32> to vector<1x128xf32>
      %div3A_57 = arith.constant 3.200000e+01 : f32
      %div3A_58 = vector.broadcast %div3A_57 : f32 to vector<1x128xf32>
      %div3A_59 = arith.divf %broadcast_in_dim3A_56, %div3A_58 : vector<1x128xf32>
      %get3A_60 = arith.constant 0 : index
      %get3A_61 = arith.constant 0 : index
      %get3A_62 = vector.load %arg6[%get3A_60, %get3A_61] : memref<128x128xf32, #tpu.memory_space<vmem>>, vector<128x128xf32>
      %dot_general3A_63 = arith.constant dense<0.000000e+00> : vector<1x128xf32>
      %dot_general3A_64 = tpu.matmul %div3A_59, %get3A_62, %dot_general3A_63 {dimension_numbers = #tpu.dot_dimension_numbers<[1], [1], [0], [0], [0, 0, 1, 0], [], []>, transpose_lhs_hint = false} : vector<1x128xf32>, vector<128x128xf32>, vector<1x128xf32> -> vector<1x128xf32>
      %get3A_65 = arith.constant 0 : index
      %get3A_66 = arith.constant 0 : index
      %get3A_67 = vector.load %arg7[%get3A_65, %get3A_66] : memref<1x128xf32, #tpu.memory_space<vmem>>, vector<1x128xf32>
      %add3A_68 = arith.addf %dot_general3A_64, %get3A_67 : vector<1x128xf32>
      %get3A_69 = arith.constant 0 : index
      %get3A_70 = arith.constant 0 : index
      %get3A_71 = vector.load %arg1[%get3A_69, %get3A_70] : memref<1088x128xf32, #tpu.memory_space<vmem>>, vector<1024x128xf32>
      %get3A_72 = arith.constant 0 : index
      %get3A_73 = arith.constant 0 : index
      %get3A_74 = vector.load %arg8[%get3A_72, %get3A_73] : memref<128x128xf32, #tpu.memory_space<vmem>>, vector<128x128xf32>
      %dot_general3A_75 = arith.constant dense<0.000000e+00> : vector<1024x128xf32>
      %dot_general3A_76 = tpu.matmul %get3A_71, %get3A_74, %dot_general3A_75 {dimension_numbers = #tpu.dot_dimension_numbers<[1], [1], [0], [0], [0, 0, 1, 0], [], []>, transpose_lhs_hint = false} : vector<1024x128xf32>, vector<128x128xf32>, vector<1024x128xf32> -> vector<1024x128xf32>
      %add3A_77 = vector.broadcast %add3A_68 : vector<1x128xf32> to vector<1024x128xf32>
      %add3A_78 = arith.addf %dot_general3A_76, %add3A_77 : vector<1024x128xf32>
      %max3A_79 = arith.constant 0.000000e+00 : f32
      %max3A_80 = vector.broadcast %max3A_79 : f32 to vector<1024x128xf32>
      %max3A_81 = arith.maximumf %add3A_78, %max3A_80 : vector<1024x128xf32>
      %mul3A_82 = arith.mulf %max3A_81, %max3A_81 : vector<1024x128xf32>
      %reduce_sum3A_83 = arith.constant dense<0.000000e+00> : vector<1024xf32>
      %reduce_sum3A_84 = vector.multi_reduction <add>, %mul3A_82, %reduce_sum3A_83 [1] : vector<1024x128xf32> to vector<1024xf32>
      %broadcast_in_dim3A_85 = vector.shape_cast %reduce_sum3A_84 : vector<1024xf32> to vector<1024x1xf32>
      %sqrt3A_86 = math.sqrt %broadcast_in_dim3A_85 : vector<1024x1xf32>
      %max3A_87 = arith.constant 9.99999996E-13 : f32
      %max3A_88 = vector.broadcast %max3A_87 : f32 to vector<1024x1xf32>
      %max3A_89 = arith.maximumf %sqrt3A_86, %max3A_88 : vector<1024x1xf32>
      %div3A_90 = vector.broadcast %max3A_89 : vector<1024x1xf32> to vector<1024x128xf32>
      %div3A_91 = arith.divf %max3A_81, %div3A_90 : vector<1024x128xf32>
      %swap3A_92 = arith.constant 0 : index
      %swap3A_93 = arith.constant 0 : index
      %swap3A_94 = vector.load %arg12[%swap3A_92, %swap3A_93] : memref<1024x128xf32, #tpu.memory_space<vmem>>, vector<1024x128xf32>
      tpu.vector_store %arg12[%swap3A_92, %swap3A_93], %div3A_91 {strides = array<i32>} : memref<1024x128xf32, #tpu.memory_space<vmem>>, vector<1024x128xf32>,
      %get3A_95 = arith.constant 0 : index
      %get3A_96 = arith.constant 0 : index
      %get3A_97 = vector.load %arg9[%get3A_95, %get3A_96] : memref<128x128xf32, #tpu.memory_space<vmem>>, vector<128x128xf32>
      %dot_general3A_98 = arith.constant dense<0.000000e+00> : vector<1024x128xf32>
      %dot_general3A_99 = tpu.matmul %div3A_91, %get3A_97, %dot_general3A_98 {dimension_numbers = #tpu.dot_dimension_numbers<[1], [1], [0], [0], [0, 0, 1, 0], [], []>, transpose_lhs_hint = false} : vector<1024x128xf32>, vector<128x128xf32>, vector<1024x128xf32> -> vector<1024x128xf32>
      %swap3A_100 = arith.constant 0 : index
      %swap3A_101 = arith.constant 0 : index
      %swap3A_102 = vector.load %arg13[%swap3A_100, %swap3A_101] : memref<1024x128xf32, #tpu.memory_space<vmem>>, vector<1024x128xf32>
      tpu.vector_store %arg13[%swap3A_100, %swap3A_101], %dot_general3A_99 {strides = array<i32>} : memref<1024x128xf32, #tpu.memory_space<vmem>>, vector<1024x128xf32>,
      %broadcast_in_dim3A_103 = arith.constant 0.000000e+00 : f32
      %broadcast_in_dim3A_104 = vector.broadcast %broadcast_in_dim3A_103 : f32 to vector<1024x128xf32>
      %swap3A_105 = arith.constant 0 : index
      %swap3A_106 = arith.constant 0 : index
      %swap3A_107 = vector.load %arg14[%swap3A_105, %swap3A_106] : memref<1024x128xf32, #tpu.memory_space<vmem>>, vector<1024x128xf32>
      tpu.vector_store %arg14[%swap3A_105, %swap3A_106], %broadcast_in_dim3A_104 {strides = array<i32>} : memref<1024x128xf32, #tpu.memory_space<vmem>>, vector<1024x128xf32>,
    } else {
    }
    %get3A = arith.constant 0 : index
    %get3A_2 = arith.constant 0 : index
    %get3A_3 = vector.load %arg2[%get3A, %get3A_2] : memref<4096x128xf32, #tpu.memory_space<vmem>>, vector<4096x128xf32>
    %get3A_4 = arith.constant 0 : index
    %get3A_5 = arith.constant 0 : index
    %get3A_6 = vector.load %arg10[%get3A_4, %get3A_5] : memref<128x128xf32, #tpu.memory_space<vmem>>, vector<128x128xf32>
    %dot_general3A = arith.constant dense<0.000000e+00> : vector<4096x128xf32>
    %dot_general3A_7 = tpu.matmul %get3A_3, %get3A_6, %dot_general3A {dimension_numbers = #tpu.dot_dimension_numbers<[1], [1], [0], [0], [0, 0, 1, 0], [], []>, transpose_lhs_hint = false} : vector<4096x128xf32>, vector<128x128xf32>, vector<4096x128xf32> -> vector<4096x128xf32>
    %get3A_8 = arith.constant 0 : index
    %get3A_9 = arith.constant 0 : index
    %get3A_10 = vector.load %arg14[%get3A_8, %get3A_9] : memref<1024x128xf32, #tpu.memory_space<vmem>>, vector<1024x128xf32>
    %get3A_11 = arith.constant 0 : index
    %get3A_12 = arith.constant 0 : index
    %get3A_13 = vector.load %arg13[%get3A_11, %get3A_12] : memref<1024x128xf32, #tpu.memory_space<vmem>>, vector<1024x128xf32>
    %dot_general3A_14 = arith.constant dense<0.000000e+00> : vector<1024x4096xf32>
    %dot_general3A_15 = tpu.matmul %get3A_13, %dot_general3A_7, %dot_general3A_14 {dimension_numbers = #tpu.dot_dimension_numbers<[1], [1], [0], [0], [0, 0, 1, 0], [], []>, transpose_lhs_hint = false} : vector<1024x128xf32>, vector<4096x128xf32>, vector<1024x4096xf32> -> vector<1024x4096xf32>
    %dot_general3A_16 = arith.constant dense<0.000000e+00> : vector<1024x128xf32>
    %dot_general3A_17 = tpu.matmul %dot_general3A_15, %get3A_3, %dot_general3A_16 {dimension_numbers = #tpu.dot_dimension_numbers<[1], [0], [0], [1], [0, 0, 1, 1], [], []>, transpose_lhs_hint = false} : vector<1024x4096xf32>, vector<4096x128xf32>, vector<1024x128xf32> -> vector<1024x128xf32>
    %add3A = arith.addf %get3A_10, %dot_general3A_17 : vector<1024x128xf32>
    %swap3A = arith.constant 0 : index
    %swap3A_18 = arith.constant 0 : index
    %swap3A_19 = vector.load %arg14[%swap3A, %swap3A_18] : memref<1024x128xf32, #tpu.memory_space<vmem>>, vector<1024x128xf32>
    tpu.vector_store %arg14[%swap3A, %swap3A_18], %add3A {strides = array<i32>} : memref<1024x128xf32, #tpu.memory_space<vmem>>, vector<1024x128xf32>,
    %eq3A_20 = arith.constant 1 : i32
    %eq3A_21 = arith.cmpi eq, %arg0, %eq3A_20 : i32
    %convert_element_type3A_22 = arith.extui %eq3A_21 : i1 to i32
    %cond3A_23 = arith.constant 0 : i32
    %cond3A_24 = arith.cmpi ne, %convert_element_type3A_22, %cond3A_23 : i32
    scf.if %cond3A_24 {
      %get3A_25 = arith.constant 0 : index
      %get3A_26 = arith.constant 0 : index
      %get3A_27 = vector.load %arg14[%get3A_25, %get3A_26] : memref<1024x128xf32, #tpu.memory_space<vmem>>, vector<1024x128xf32>
      %reduce_max3A = arith.constant dense<0xFF800000> : vector<1024xf32>
      %reduce_max3A_28 = vector.multi_reduction <maximumf>, %get3A_27, %reduce_max3A [1] : vector<1024x128xf32> to vector<1024xf32>
      %broadcast_in_dim3A = vector.shape_cast %reduce_max3A_28 : vector<1024xf32> to vector<1024x1xf32>
      %sub3A = vector.broadcast %broadcast_in_dim3A : vector<1024x1xf32> to vector<1024x128xf32>
      %sub3A_29 = arith.subf %get3A_27, %sub3A : vector<1024x128xf32>
      %exp3A = math.exp %sub3A_29 : vector<1024x128xf32>
      %reduce_sum3A = arith.constant dense<0.000000e+00> : vector<1024xf32>
      %reduce_sum3A_30 = vector.multi_reduction <add>, %exp3A, %reduce_sum3A [1] : vector<1024x128xf32> to vector<1024xf32>
      %broadcast_in_dim3A_31 = vector.shape_cast %reduce_sum3A_30 : vector<1024xf32> to vector<1024x1xf32>
      %div3A = vector.broadcast %broadcast_in_dim3A_31 : vector<1024x1xf32> to vector<1024x128xf32>
      %div3A_32 = arith.divf %exp3A, %div3A : vector<1024x128xf32>
      %get3A_33 = arith.constant 0 : index
      %get3A_34 = arith.constant 0 : index
      %get3A_35 = vector.load %arg12[%get3A_33, %get3A_34] : memref<1024x128xf32, #tpu.memory_space<vmem>>, vector<1024x128xf32>
      %mul3A = arith.mulf %get3A_35, %div3A_32 : vector<1024x128xf32>
      %mul3A_36 = arith.mulf %mul3A, %mul3A : vector<1024x128xf32>
      %reduce_sum3A_37 = arith.constant dense<0.000000e+00> : vector<1024xf32>
      %reduce_sum3A_38 = vector.multi_reduction <add>, %mul3A_36, %reduce_sum3A_37 [1] : vector<1024x128xf32> to vector<1024xf32>
      %broadcast_in_dim3A_39 = vector.shape_cast %reduce_sum3A_38 : vector<1024xf32> to vector<1024x1xf32>
      %sqrt3A = math.sqrt %broadcast_in_dim3A_39 : vector<1024x1xf32>
      %max3A = arith.constant 9.99999996E-13 : f32
      %max3A_40 = vector.broadcast %max3A : f32 to vector<1024x1xf32>
      %max3A_41 = arith.maximumf %sqrt3A, %max3A_40 : vector<1024x1xf32>
      %div3A_42 = vector.broadcast %max3A_41 : vector<1024x1xf32> to vector<1024x128xf32>
      %div3A_43 = arith.divf %mul3A, %div3A_42 : vector<1024x128xf32>
      %swap3A_44 = arith.constant 0 : index
      %swap3A_45 = arith.constant 0 : index
      %swap3A_46 = vector.load %arg11[%swap3A_44, %swap3A_45] : memref<1024x128xf32, #tpu.memory_space<vmem>>, vector<1024x128xf32>
      tpu.vector_store %arg11[%swap3A_44, %swap3A_45], %div3A_43 {strides = array<i32>} : memref<1024x128xf32, #tpu.memory_space<vmem>>, vector<1024x128xf32>,
    } else {
    }
    return
  }
  func.func @transform_0(%arg0: i32) -> (i32, i32) {
    %c0_i32 = arith.constant 0 : i32
    %c0_i32_0 = arith.constant 0 : i32
    %c0_i32_1 = arith.constant 0 : i32
    return %c0_i32, %c0_i32_0 : i32, i32
  }
  func.func @transform_1(%arg0: i32) -> (i32, i32) {
    %c0_i32 = arith.constant 0 : i32
    %c0_i32_0 = arith.constant 0 : i32
    return %arg0, %c0_i32 : i32, i32
  }
  func.func @transform_2(%arg0: i32) -> (i32, i32) {
    %c0_i32 = arith.constant 0 : i32
    %c0_i32_0 = arith.constant 0 : i32
    %c0_i32_1 = arith.constant 0 : i32
    return %c0_i32, %c0_i32_0 : i32, i32
  }
  func.func @transform_3(%arg0: i32) -> (i32, i32) {
    %c0_i32 = arith.constant 0 : i32
    %c0_i32_0 = arith.constant 0 : i32
    %c0_i32_1 = arith.constant 0 : i32
    return %c0_i32, %c0_i32_0 : i32, i32
  }
  func.func @transform_4(%arg0: i32) -> (i32, i32) {
    %c0_i32 = arith.constant 0 : i32
    %c0_i32_0 = arith.constant 0 : i32
    %c0_i32_1 = arith.constant 0 : i32
    return %c0_i32, %c0_i32_0 : i32, i32
  }
  func.func @transform_5(%arg0: i32) -> (i32, i32) {
    %c0_i32 = arith.constant 0 : i32
    %c0_i32_0 = arith.constant 0 : i32
    %c0_i32_1 = arith.constant 0 : i32
    return %c0_i32, %c0_i32_0 : i32, i32
  }
  func.func @transform_6(%arg0: i32) -> (i32, i32) {
    %c0_i32 = arith.constant 0 : i32
    %c0_i32_0 = arith.constant 0 : i32
    %c0_i32_1 = arith.constant 0 : i32
    return %c0_i32, %c0_i32_0 : i32, i32
  }
  func.func @transform_7(%arg0: i32) -> (i32, i32) {
    %c0_i32 = arith.constant 0 : i32
    %c0_i32_0 = arith.constant 0 : i32
    %c0_i32_1 = arith.constant 0 : i32
    return %c0_i32, %c0_i32_0 : i32, i32
  }
  func.func @transform_8(%arg0: i32) -> (i32, i32) {
    %c0_i32 = arith.constant 0 : i32
    %c0_i32_0 = arith.constant 0 : i32
    %c0_i32_1 = arith.constant 0 : i32
    return %c0_i32, %c0_i32_0 : i32, i32
  }
  func.func @transform_9(%arg0: i32) -> (i32, i32) {
    %c0_i32 = arith.constant 0 : i32
    %c0_i32_0 = arith.constant 0 : i32
    %c0_i32_1 = arith.constant 0 : i32
    return %c0_i32, %c0_i32_0 : i32, i32
  }
  func.func @transform_10(%arg0: i32) -> (i32, i32) {
    %c0_i32 = arith.constant 0 : i32
    %c0_i32_0 = arith.constant 0 : i32
    %c0_i32_1 = arith.constant 0 : i32
    return %c0_i32, %c0_i32_0 : i32, i32
  }
}

</mosaic_0001>

<sc_bundles>
// kernel: kernel.4.cloned.1.call-start
scs
__scs_entry_jumppad:
0x0: {  	(pc) =	sbr.rel $0x88, $3  }
0x1: {  	(tag) =	ssettag $0x0;
	lr =	simm.s32 $0x1  }
0x2: {  	[smem:$0x3F94] =	sst lr;
	_ =	strace $0xD0000000  }
0x3: {  	_ = 	snop  }
0x4: {  	_ = 	snop  }
0x5: {  	_ = 	snop  }
0x6: {  	_ = 	snop  }
0x7: {  	_ = 	snop  }
__scs_overlays_trampoline_lowered:
0x8: {  	[smem:$0x3FA3] =	sst s0  }
0x9: {  	[smem:$0x3FA4] =	sst s1  }
0xa: {  	[smem:$0x3FA5] =	sst s2  }
0xb: {  	[smem:$0x3FA6] =	sst s3  }
0xc: {  	[smem:$0x3FA7] =	sst s4  }
0xd: {  	[smem:$0x3FA8] =	sst s5  }
0xe: {  	[smem:$0x3FA9] =	sst s6  }
0xf: {  	[smem:$0x3FAA] =	sst s7  }
0x10: {  	[smem:$0x3FAB] =	sst s8  }
0x11: {  	[smem:$0x3FAC] =	sst s9;
	s0 =	simm.s32 @!p0 $0x0  }
0x12: {  	s1 =	sld [smem:$0x3F92];
	s0 =	simm.s32 @p0 $0x1  }
0x13: {  	[smem:$0x3FAD] =	sst s0;
	s0 =	simm.s32 @!p1 $0x0  }
0x14: {  	s2 =	sld [smem:$0x3F91];
	s0 =	simm.s32 @p1 $0x1  }
0x15: {  	[smem:$0x3FAE] =	sst s0;
	s0 =	simm.s32 @!p2 $0x0  }
0x16: {  	s3 =	sld [smem:$0x3FDB];
	s0 =	simm.s32 @p2 $0x1  }
0x17: {  	s4 =	simm.s32 $0x1BF5;
	[smem:$0x3FB0] =	sst s0  }
0x18: {  	s0 =	sld [smem:$0x3F93];
	_ =	swait.ge [sflag:s4], $0x0  }
0x19: {  	s7 =	sld [smem:$0x3F94]  }
0x1a: {  	s8 =	sadd.s32 $0xFFFFE003, lr  }
0x1b: {  	s9 =	sadd.s32 $0xFFFFFEF7, lr;
	s5 =	simm.s32 $0xFFFFFFFF;
	p2 =	slt.u32 s8, $0xFFFFF086  }
0x1c: {  	p1 =	slt.u32 s9, $0xF7A;
	s5 =	simm.s32 @!p2 $0x0  }
0x1d: {  	s5 =	simm.s32 @p1 $0x1;
	p0 =	seq.s32 s7, s2  }
0x1e: {  	s7 =	smul.u32 @!p0 $0xF7A, s2;
	p2 =	seq.s32 @!p0 s5, $0x0  }
0x1f: {  	s9 =	smul.u32 $0xF7A, s1;
	s8 =	simm.s32 @!p0 $0x1BF5;
	p2 =	por !p2, p0  }
0x20: {  	[sflag:s8] =	ssyncset.s32 @!p0 $0xFFFFF086;
	s6 =	sadd.s32 @!p0 s3, s7;
	s7 =	simm.s32 @!p0 $0x108  }
0x21: {  	s3 =	sadd.s32 s3, s9;
	s6 =	sadd.s32 @!p0 $0x88, s6;
	s7 =	simm.s32 @p2 $0x1082  }
0x22: {  	[simem:s7], [sflag:s8] =	dma.local @!p0 [hbm:s6], $0xF7A  }
0x23: {  	s9 =	sor.u32 $0xD0000000, s2;
	s6 =	simm.s32 $0x108;
	_ =	swait.ge @!p0 [sflag:s8], $0x0  }
0x24: {  	s3 =	sadd.s32 $0x88, s3;
	s6 =	simm.s32 @!p1 $0x1082;
	[sflag:s4] =	ssyncset.s32 $0xFFFFF086  }
0x25: {  	[simem:s6], [sflag:s4] =	dma.local [hbm:s3], $0xF7A  }
0x26: {  	[smem:$0x3F94] =	sst s1;
	(tag) =	ssettag s2;
	_ =	strace s9  }
0x27: {  	s1 =	sld [smem:$0x3FA4]  }
0x28: {  	s2 =	sld [smem:$0x3FA5]  }
0x29: {  	s4 =	sld [smem:$0x3FA7]  }
0x2a: {  	p0 =	seq.s32 s5, $0x0;
	s5 =	sld [smem:$0x3FA8]  }
0x2b: {  	s6 =	sld [smem:$0x3FA9]  }
0x2c: {  	s7 =	sld [smem:$0x3FAA]  }
0x2d: {  	s3 =	simm.s32 $0x108;
	s8 =	sld [smem:$0x3FAB]  }
0x2e: {  	s3 =	simm.s32 @!p0 $0x1082;
	s9 =	sld [smem:$0x3FAC]  }
0x2f: {  	lr =	sadd.s32 s0, s3;
	s0 =	sld [smem:$0x3FA3]  }
0x30: {  	s3 =	sld [smem:$0x3FA6]  }
0x31: {  	[smem:$0x3FAF] =	sst s10  }
0x32: {  	s10 =	sld [smem:$0x3FAD];
	_ =	sdelay $0x3  }
0x33: {  	p0 =	seq.s32 s10, $0x1;
	s10 =	sld [smem:$0x3FAF];
	_ =	sdelay $0x3  }
0x34: {  	[smem:$0x3FAF] =	sst s10  }
0x35: {  	s10 =	sld [smem:$0x3FAE];
	_ =	sdelay $0x3  }
0x36: {  	p1 =	seq.s32 s10, $0x1;
	s10 =	sld [smem:$0x3FAF];
	_ =	sdelay $0x3  }
0x37: {  	[smem:$0x3FAF] =	sst s10  }
0x38: {  	s10 =	sld [smem:$0x3FB0]  }
0x39: {  	_ = 	snop;
	(pc) =	sbr.ind lr, $3  }
0x3a: {  	_ = 	snop  }
0x3b: {  	_ = 	snop  }
0x3c: {  	p2 =	seq.s32 s10, $0x1;
	s10 =	sld [smem:$0x3FAF]  }
0x3d: {  	_ =	shalt  }
0x3e: {  	_ =	shalt  }
0x3f: {  	_ =	shalt  }
0x40: {  	_ =	shalt  }
0x41: {  	_ =	shalt  }
0x42: {  	_ =	shalt  }
0x43: {  	_ =	shalt  }
0x44: {  	_ =	shalt  }
0x45: {  	_ =	shalt  }
0x46: {  	_ =	shalt  }
0x47: {  	_ =	shalt  }
0x48: {  	_ =	shalt  }
0x49: {  	_ =	shalt  }
0x4a: {  	_ =	shalt  }
0x4b: {  	_ =	shalt  }
0x4c: {  	_ =	shalt  }
0x4d: {  	_ =	shalt  }
0x4e: {  	_ =	shalt  }
0x4f: {  	_ =	shalt  }
0x50: {  	_ =	shalt  }
0x51: {  	_ =	shalt  }
0x52: {  	_ =	shalt  }
0x53: {  	_ =	shalt  }
0x54: {  	_ =	shalt  }
0x55: {  	_ =	shalt  }
0x56: {  	_ =	shalt  }
0x57: {  	_ =	shalt  }
0x58: {  	_ =	shalt  }
0x59: {  	_ =	shalt  }
0x5a: {  	_ =	shalt  }
0x5b: {  	_ =	shalt  }
0x5c: {  	_ =	shalt  }
0x5d: {  	_ =	shalt  }
0x5e: {  	_ =	shalt  }
0x5f: {  	_ =	shalt  }
0x60: {  	_ =	shalt  }
0x61: {  	_ =	shalt  }
0x62: {  	_ =	shalt  }
0x63: {  	_ =	shalt  }
0x64: {  	_ =	shalt  }
0x65: {  	_ =	shalt  }
0x66: {  	_ =	shalt  }
0x67: {  	_ =	shalt  }
0x68: {  	_ =	shalt  }
0x69: {  	_ =	shalt  }
0x6a: {  	_ =	shalt  }
0x6b: {  	_ =	shalt  }
0x6c: {  	_ =	shalt  }
0x6d: {  	_ =	shalt  }
0x6e: {  	_ =	shalt  }
0x6f: {  	_ =	shalt  }
0x70: {  	_ =	shalt  }
0x71: {  	_ =	shalt  }
0x72: {  	_ =	shalt  }
0x73: {  	_ =	shalt  }
0x74: {  	_ =	shalt  }
0x75: {  	_ =	shalt  }
0x76: {  	_ =	shalt  }
0x77: {  	_ =	shalt  }
0x78: {  	_ =	shalt  }
0x79: {  	_ =	shalt  }
0x7a: {  	_ =	shalt  }
0x7b: {  	_ =	shalt  }
0x7c: {  	_ =	shalt  }
0x7d: {  	_ =	shalt  }
0x7e: {  	_ =	shalt  }
0x7f: {  	_ =	shalt  }
0x80: {  	_ =	shalt  }
0x81: {  	_ =	shalt  }
0x82: {  	_ =	shalt  }
0x83: {  	_ =	shalt  }
0x84: {  	_ =	shalt  }
0x85: {  	_ =	shalt  }
0x86: {  	_ =	shalt  }
0x87: {  	_ =	shalt  }
.Lfunc_end0:
.L_simem_size_0:
called_computation_lowered:
.L_overlay_start_0:
0x88: {  	s2 =	sld [smem:$0x3FD9]  }
0x89: {  	s3 =	sld [smem:$0x3FFE];
	_ =	sdelay $0x1  }
0x8a: {  	s1 =	srdreg.scid  }
0x8b: {  	s0 =	sand.u32 $0x1, s1  }
0x8c: {  	s17 =	sshll.u32 s0, $0xA;
	s2 =	sadd.s32 s3, s2  }
0x8d: {  	s2 =	sadd.s32 s2, s17  }
0x8e: {  	[smem:$0x3FBB] =	sst s2  }
0x8f: {  	_ = 	snop  }
0x90: {  	s2 =	sld [smem:$0x3FC5]  }
0x91: {  	s18 =	sld [smem:$0x3FD0];
	(tm) =	ssettm $0x1  }
0x92: {  	s4 =	sld [smem:$0x3FFB];
	_ =	sdelay $0x3  }
0x93: {  	_ =	strace s4  }
0x94: {  	s4 =	sld [smem:$0x3FFC];
	_ =	sdelay $0x3  }
0x95: {  	_ =	strace s4  }
0x96: {  	s4 =	sld [smem:$0x3FFD];
	_ =	sdelay $0x3  }
0x97: {  	_ =	strace s4  }
0x98: {  	_ =	strace $0x8FFFFFFF  }
0x99: {  	s19 =	sld [smem:$0x3FDB];
	_ =	sdelay $0x1  }
0x9a: {  	s5 =	simm.s32 $_scs_section_size  }
0x9b: {  	s6 =	simm.s32 $_size__tile_overlayer_lowered;
	s7 =	simm.s32 $_tile_overlayer_lowered  }
0x9c: {  	s22 =	simm.s32 $0x1BFF;
	s21 =	sshll.u32 s7, $0x1;
	s4 =	sadd.s32 s5, s19  }
0x9d: {  	s8 =	simm.s32 $0x0;
	s20 =	sshll.u32 s6, $0x1;
	s6 =	sadd.s32 s21, s4  }
0x9e: {  	[timem:s8], [sflag:s22] =	dma.local [hbm:s6], s20  }
0x9f: {  	_ =	swait.ge [sflag:s22], s20  }
0xa0: {  	s5 =	ssub.s32 $0x0, s20;
	[sflag:s22] =	ssyncset.done $0x0  }
0xa1: {  	[sflag:s22] =	ssyncadd.s32 s5;
	_ =	sdelay $0x1  }
0xa2: {  	s23 =	simm.s32 $0x1B8B  }
0xa3: {  	_ =	swait.ge [sflag:s23], $0x1  }
0xa4: {  	[sflag:s23] =	ssyncset.done $0x0  }
0xa5: {  	s25 =	simm.s32 $0x1B8E;
	s24 =	sld [smem:$0x3FFE];
	[sflag:s23] =	ssyncadd.s32 $0xFFFFFFFF  }
0xa6: {  	s26 =	simm.s32 $execute0_lowered;
	[smem:$0x3FD2] =	sst s25  }
0xa7: {  	s6 =	sshll.u32 s26, $0x1;
	_ =	strace $0x80000046;
	[dreg:$0x1] =	wrdreg $0xFFFFFFFF  }
0xa8: {  	s28 =	simm.s32 $_size_execute0_lowered;
	s4 =	sadd.s32 s4, s6;
	[dreg:$0x0] =	wrdreg $0x0  }
0xa9: {  	s6 =	sshll.u32 s28, $0x1;
	[dreg:$0x2] =	wrdreg s4  }
0xaa: {  	[dreg:$0x3] =	wrdreg s6  }
0xab: {  	[dreg:$0x4] =	wrdreg $0xC0  }
0xac: {  	_ =	task [dreg:s8], $0x5FFFF  }
0xad: {  	[dreg:$0x1] =	wrdreg $0xFFFFFFFF  }
0xae: {  	[dreg:$0x0] =	wrdreg $0x60  }
0xaf: {  	[dreg:$0x2] =	wrdreg s18  }
0xb0: {  	[dreg:$0x3] =	wrdreg s2  }
0xb1: {  	[dreg:$0x4] =	wrdreg s24  }
0xb2: {  	[dreg:$0x5] =	wrdreg $0x9  }
0xb3: {  	_ =	task.clear_ibuf [dreg:s8], $0x6FFFF;
	_ =	strace $0x90000046  }
0xb4: {  	s29 =	simm.s32 $0x9;
	_ =	strace $0x80000048  }
0xb5: {  	_ =	swait.ge [sflag:s29], $0x1  }
0xb6: {  	[sflag:s29] =	ssyncadd.s32 $0xFFFFFFFF  }
0xb7: {  	_ =	strace $0x90000048  }
0xb8: {  	_ =	sfence  }
0xb9: {  	s30 =	sld [smem:$0x0];
	_ =	sdelay $0x2  }
0xba: {  	s31 =	sshll.u32 s1, $0xD;
	s1 =	sshrl.u32 s1, $0x2  }
0xbb: {  	s3 =	sand.u32 $0x4000, s31;
	s1 =	sadd.s32 s1, s30  }
0xbc: {  	s0 =	sor.u32 s3, s0;
	s1 =	sshll.u32 s1, $0x11  }
0xbd: {  	s0 =	sor.u32 s1, s0  }
0xbe: {  	s0 =	sadd.s32 $0x8F2B, s0  }
0xbf: {  	[sflag:s0] =	ssyncadd.remote.s32 $0x1  }
0xc0: {  	_ =	sfence.sel $0xFFFF  }
0xc1: {  	[dreg:$0x0] =	wrdreg $0xFFFFFFFF;
	(pc) =	sbr.abs _section_cstart, $3  }
0xc2: {  	[dreg:$0x1] =	wrdreg $0xFFFFFFFF  }
0xc3: {  	_ =	task.clear_ibuf [dreg:s8], $0x2FFFF;
	_ =	strace $0x9FFFFFFF  }
0xc4: {  	(tm) =	ssettm $0x7FFFFFFF  }
0xc5: {  	_ =	shalt  }
tec
execute0_lowered:
.L_overlay_start_1:
0x0: {  	(tag) =	ssettag $0x1  }
0x1: {  	s4 =	rddreg [dreg:$0x0]  }
0x2: {  	s1 =	rddreg [dreg:$0x1]  }
0x3: {  	s5 =	rddreg [dreg:$0x2]  }
0x4: {  	s0 =	rddreg [dreg:$0x3];
	s6 =	srdreg.scid;
	s3 =	simm.s32 $0x0  }
0x5: {  	s2 =	stileid.u32;
	s10 =	simm.s32 $0x40;
	s11 =	simm.s32 $0x80  }
0x6: {  	s12 =	simm.s32 $0x1;
	s13 =	simm.s32 $0x1880;
	s14 =	simm.s32 $0x2080  }
0x7: {  	s15 =	simm.s32 $0x2;
	s16 =	simm.s32 $0x0;
	s19 =	simm.s32 $0x0  }
0x8: {  	s6 =	sand.u32 $0x1, s6;
	[smem:$0x7FF] =	sst s3;
	s8 =	sshll.u32 s2, $0x1  }
0x9: {  	s5 =	sadd.s32 $0x1800, s5;
	s7 =	ssub.s32 $0x2, s6;
	s6 =	sor.u32 s6, s8  }
0xa: {  	_ =	strace $0x80000047;
	s9 =	sshrl.u32 s7, $0x1;
	s31 =	sshll.u32 s6, $0x4  }
0xb: {  	s6 =	sshll.u32 s6, $0x9;
	s30 =	ssub.s32 s7, s9;
	s4 =	sadd.s32 s4, s31  }
0xc: {  	s7 =	sadd.s32 s31, s5;
	s5 =	sadd.s32 s5, s6;
	s9 =	simm.s32 $0x3  }
0xd: {  	s6 =	sadd.s32 $0x4000, s7;
	s7 =	sadd.s32 $0x4200, s7;
	s8 =	smax.u32 s30, $0x1  }
.LBB2_1:
0xe: {  	[tilespmem:s3], [sflag:$0x3] =	stream.linear.gather [hbm4b:s4+s3], $0x80, $0x38;
	[tilespmem:$0x2100] =	vst v63  }
0xf: {  	_ =	swait.ge [sflag:s9], $0x80  }
0x10: {  	[sflag:s9] =	ssyncset.done $0x0  }
0x11: {  	[sflag:s9] =	ssyncadd.s32 $0xFFFFFF80  }
0x12: {  	[tilespmem:s11], [sflag:$0x1] =	stream.indirect.gather [hbm4b:s1+s10], $0x80, s3, s10, $0xb8;
	[tilespmem:$0x2100] =	vst v63  }
0x13: {  	_ =	swait.ge [sflag:s12], $0x2000  }
0x14: {  	[sflag:s12] =	ssyncset.done $0x0  }
0x15: {  	[sflag:s12] =	ssyncadd.s32 $0xFFFFE000  }
0x16: {  	[hbm4b:s5+s3] =	stream.linear.scatter [tilespmem:s11], [sflag:$0x2], $0x1000, $0x38;
	[tilespmem:$0x2100] =	vst v63  }
0x17: {  	_ = 	snop  }
0x18: {  	[hbm4b:s6+s3] =	stream.linear.scatter [tilespmem:s13], [sflag:$0x2], $0x80, $0x38;
	[tilespmem:$0x2100] =	vst v63  }
0x19: {  	v8 =	vld [tilespmem:$0x1080]  }
0x1a: {  	v9 =	vld [tilespmem:$0x1090]  }
0x1b: {  	v5 =	vld [tilespmem:$0x10A0]  }
0x1c: {  	v4 =	vld [tilespmem:$0x10B0]  }
0x1d: {  	v3 =	vld [tilespmem:$0x10C0]  }
0x1e: {  	v2 =	vld [tilespmem:$0x10D0]  }
0x1f: {  	v1 =	vld [tilespmem:$0x10E0]  }
0x20: {  	v0 =	vld [tilespmem:$0x10F0]  }
0x21: {  	v6 =	vld [tilespmem:s19+$0x1170]  }
0x22: {  	v10 =	vld [tilespmem:s19+$0x1100]  }
0x23: {  	v13 =	vld [tilespmem:s19+$0x1110]  }
0x24: {  	v12 =	vld [tilespmem:s19+$0x1120]  }
0x25: {  	v11 =	vld [tilespmem:s19+$0x1130]  }
0x26: {  	v7 =	vld [tilespmem:s19+$0x1140]  }
0x27: {  	v0 =	vadd.f32 v6, v0;
	v6 =	vld [tilespmem:s19+$0x1150]  }
0x28: {  	s17 =	simm.s32 $0x80;
	s18 =	simm.s32 $0x400;
	v8 =	vadd.f32 v10, v8;
	v9 =	vadd.f32 v13, v9;
	v10 =	vld [tilespmem:s19+$0x1160]  }
.LBB2_2:
0x29: {  	p0 =	sne.s32 s18, $0x1C00;
	v13 =	vld [tilespmem:s17+$0x1170];
	v5 =	vadd.f32 v12, v5  }
0x2a: {  	v14 =	vld [tilespmem:s17+$0x1100];
	v4 =	vadd.f32 v11, v4  }
0x2b: {  	v15 =	vld [tilespmem:s17+$0x1110];
	v3 =	vadd.f32 v7, v3  }
.Ltmp0:
0x2c: {  	v12 =	vld [tilespmem:s17+$0x1120];
	v2 =	vadd.f32 v6, v2;
	(pc) =	sbr.rel @p0 .LBB2_2-.Ltmp0, $4  }
0x2d: {  	v11 =	vld [tilespmem:s17+$0x1130];
	v1 =	vadd.f32 v10, v1  }
0x2e: {  	v7 =	vld [tilespmem:s17+$0x1140];
	v0 =	vadd.f32 v13, v0  }
0x2f: {  	v8 =	vadd.f32 v14, v8;
	v6 =	vld [tilespmem:s17+$0x1150]  }
0x30: {  	v9 =	vadd.f32 v15, v9;
	v10 =	vld [tilespmem:s17+$0x1160];
	s17 =	sshra.s32 s18, $0x2;
	s18 =	sadd.s32 $0x200, s18  }
0x31: {  	v13 =	vld [tilespmem:s17+$0x1100]  }
0x32: {  	v14 =	vld [tilespmem:s17+$0x1110]  }
0x33: {  	v15 =	vld [tilespmem:s17+$0x1120]  }
0x34: {  	v16 =	vld [tilespmem:s17+$0x1130]  }
0x35: {  	v17 =	vld [tilespmem:s17+$0x1140]  }
0x36: {  	v5 =	vadd.f32 v12, v5;
	v60 =	vld [tilespmem:s17+$0x1150];
	v8 =	vadd.f32 v13, v8  }
0x37: {  	v62 =	vld [tilespmem:s17+$0x1170];
	v4 =	vadd.f32 v11, v4;
	v9 =	vadd.f32 v14, v9  }
0x38: {  	v61 =	vld [tilespmem:s17+$0x1160];
	v3 =	vadd.f32 v7, v3;
	v5 =	vadd.f32 v15, v5;
	v8 =	vmul.f32 $6.250000000e-02, v8  }
0x39: {  	v2 =	vadd.f32 v6, v2;
	v4 =	vadd.f32 v16, v4;
	v63 =	vmul.f32 $6.250000000e-02, v9  }
0x3a: {  	v3 =	vadd.f32 v17, v3;
	v5 =	vmul.f32 $6.250000000e-02, v5;
	[tilespmem:$0x2080] =	vst v8  }
0x3b: {  	v1 =	vadd.f32 v10, v1;
	v2 =	vadd.f32 v60, v2;
	v4 =	vmul.f32 $6.250000000e-02, v4;
	[tilespmem:$0x2090] =	vst v63  }
0x3c: {  	v0 =	vadd.f32 v62, v0;
	v3 =	vmul.f32 $6.250000000e-02, v3;
	[tilespmem:$0x20A0] =	vst v5  }
0x3d: {  	v1 =	vadd.f32 v61, v1;
	v2 =	vmul.f32 $6.250000000e-02, v2;
	[tilespmem:$0x20B0] =	vst v4  }
0x3e: {  	v0 =	vmul.f32 $6.250000000e-02, v0;
	[tilespmem:$0x20C0] =	vst v3  }
0x3f: {  	v1 =	vmul.f32 $6.250000000e-02, v1;
	[tilespmem:$0x20D0] =	vst v2  }
0x40: {  	[tilespmem:$0x20F0] =	vst v0  }
0x41: {  	[tilespmem:$0x20E0] =	vst v1  }
0x42: {  	[hbm4b:s7+s3] =	stream.linear.scatter [tilespmem:s14], [sflag:$0x3], $0x80, $0x38;
	[tilespmem:$0x2100] =	vst v63  }
0x43: {  	_ =	swait.ge [sflag:s9], $0x80  }
0x44: {  	[sflag:s9] =	ssyncset.done $0x0  }
0x45: {  	s16 =	sadd.s32 $0x1, s16;
	[sflag:s9] =	ssyncadd.s32 $0xFFFFFF80  }
0x46: {  	p0 =	sne.s32 s16, s8;
	_ =	swait.ge [sflag:s15], $0x1000  }
.Ltmp1:
0x47: {  	[sflag:s15] =	ssyncset.done $0x0;
	(pc) =	sbr.rel @p0 .LBB2_1-.Ltmp1, $4  }
0x48: {  	[sflag:s15] =	ssyncadd.s32 $0xFFFFF000  }
0x49: {  	_ =	swait.ge [sflag:s15], $0x80  }
0x4a: {  	[sflag:s15] =	ssyncset.done $0x0  }
0x4b: {  	[sflag:s15] =	ssyncadd.s32 $0xFFFFFF80  }
0x4c: {  	_ =	sfence.sel $0x180000  }
0x4d: {  	[bflag:$0x0] =	sbarrier.arrive $0xFFFF  }
0x4e: {  	p0 =	sne.s32 s2, $0x0;
	_ =	strace $0x90000047  }
0x4f: {  	s0 =	sadd.s32 @!p0 $0x100000, s0;
	[bflag:$0x2] =	sbarrier.arrive $0xFFFF  }
0x50: {  	[sflag:s0] =	ssyncadd.tile.s32 @!p0 $0x1;
	_ =	shalt  }
.Lfunc_end2:
_tile_overlayer_lowered:
.L_overlay_start_2:
0x51: {  	(tag) =	ssettag $0x2  }
0x52: {  	s0 =	rddreg [dreg:$0x0];
	s2 =	stileid.u32  }
0x53: {  	s1 =	rddreg [dreg:$0x1];
	p0 =	sne.s32 s2, $0x0  }
0x54: {  	s3 =	rddreg [dreg:$0x2];
	[bflag:$0x3] =	sbarrier.arrive $0xFFFF;
	s2 =	simm.s32 @!p0 $0x1C03  }
0x55: {  	[timem:s3], [sflag:s2] =	dma.local @!p0 [hbm:s0], s1  }
0x56: {  	s0 =	simm.s32 @!p0 $0x3  }
0x57: {  	_ =	swait.ge @!p0 [sflag:s0], s1  }
0x58: {  	s1 =	ssub.s32 @!p0 $0x0, s1;
	[sflag:s0] =	ssyncset.done @!p0 $0x0  }
0x59: {  	[sflag:s0] =	ssyncadd.s32 @!p0 s1  }
0x5a: {  	[bflag:$0x3] =	sbarrier.arrive $0xFFFF  }
0x5b: {  	_ =	shalt  }

</sc_bundles>
